<compile_context>
chip_gen: v7x
topology: tpu7x:2x2x1
jax: 0.10.2.dev20260603
libtpu: 0.0.44.dev20260713+nightly
codegen_flags: <defaults>
</compile_context>

<pallas_src>
import functools

import jax
import jax.numpy as jnp
from jax import lax
from jax.experimental import pallas as pl
from jax.experimental.pallas import tpu as pltpu
from jax.experimental.pallas import tpu_sc as plsc

_PATCH = 4
_IMG_C = 3
_NUM_C = 96
_NPW = 128
_HB = 512
_NB = _HB // _PATCH
_PB = _NB * _NPW


def _emb_kernel(x_ref, s_ref, wt_ref, b_ref, o_ref):
    pieces = []
    for c in range(_IMG_C):
        plane = x_ref[0, c]
        r = jnp.dot(plane, s_ref[...],
                    preferred_element_type=jnp.float32)
        for dw in range(_PATCH):
            g3 = r[:, dw * _NPW:(dw + 1) * _NPW].reshape(_NB, _PATCH, _NPW)
            for dh in range(_PATCH):
                pieces.append(g3[:, dh, :])
    p = jnp.stack(pieces, axis=0).reshape(48, _PB)
    e = jax.lax.dot_general(
        wt_ref[...], p, (((1,), (0,)), ((), ())),
        preferred_element_type=jnp.float32)
    o_ref[0] = e + b_ref[...]


def _make_idx_sc(n, npatches):
    info = plsc.get_sparse_core_info()
    nc = info.num_cores
    lanes = info.num_lanes
    mesh = plsc.VectorSubcoreMesh(core_axis_name="c", subcore_axis_name="s")

    @functools.partial(
        pl.kernel, mesh=mesh,
        out_type=jax.ShapeDtypeStruct((n, npatches), jnp.int32),
        scratch_types=[pltpu.VMEM((npatches,), jnp.int32)],
    )
    def idx_kernel(out_hbm, ramp_v):
        wid = lax.axis_index("s") * nc + lax.axis_index("c")

        def body(k, carry):
            ramp_v[pl.ds(k * lanes, lanes)] = (
                lax.iota(jnp.int32, lanes) + k * lanes)
            return carry

        lax.fori_loop(0, npatches // lanes, body, 0)
        pltpu.sync_copy(ramp_v, out_hbm.at[wid])

    return idx_kernel


def kernel(x, W, b):
    n, h, w, c = x.shape
    npatches = (h // _PATCH) * (w // _PATCH)
    xt = x.transpose(0, 3, 1, 2)
    wrt = W.reshape(_PATCH, _PATCH, _IMG_C, _NUM_C)
    wrt = wrt.transpose(2, 1, 0, 3).reshape(48, _NUM_C).T
    wi = jnp.arange(w)[:, None]
    qi = jnp.arange(w)[None, :]
    sel = ((wi % _PATCH == qi // _NPW) & (wi // _PATCH == qi % _NPW))
    sel = sel.astype(jnp.float32)

    grid = (n, h // _HB)
    embt = pl.pallas_call(
        _emb_kernel,
        grid=grid,
        in_specs=[
            pl.BlockSpec((1, _IMG_C, _HB, w), lambda i, j: (i, 0, j, 0)),
            pl.BlockSpec((w, w), lambda i, j: (0, 0)),
            pl.BlockSpec((_NUM_C, 48), lambda i, j: (0, 0)),
            pl.BlockSpec((_NUM_C, 1), lambda i, j: (0, 0)),
        ],
        out_specs=pl.BlockSpec((1, _NUM_C, _PB), lambda i, j: (i, 0, j)),
        out_shape=jax.ShapeDtypeStruct((n, _NUM_C, npatches), jnp.float32),
    )(xt, sel, wrt, b.reshape(_NUM_C, 1))
    emb = embt.transpose(0, 2, 1)

    idx = _make_idx_sc(n, npatches)()
    return emb, idx

# --- scband reference (transcript-rebuilt; emitter-appended) ---
"""Pipeline reference for scband-patch-extractor-39599598469253 (READ-ONLY COPY).

The authoritative reference and input builder live on the scoring server;
editing this copy changes nothing except your own understanding.
"""

import jax, jax.numpy as jnp
import numpy as np

MAX_SIZE = (512, 512)
PATCH_SIZE = (4, 4)
IMG_CHANNELS = 3
NUM_CHANNELS = 96


def setup_inputs(seed: int = 0) -> dict:
    key = jax.random.key(seed)
    k1, k2 = jax.random.split(key, 2)
    x = jax.random.normal(k1, (32, 512, 512, IMG_CHANNELS), dtype=jnp.float32)
    in_dim = PATCH_SIZE[0] * PATCH_SIZE[1] * IMG_CHANNELS
    W = jax.random.normal(k2, (in_dim, NUM_CHANNELS), dtype=jnp.float32) * (1.0 / np.sqrt(in_dim))
    b = jnp.zeros((NUM_CHANNELS,), dtype=jnp.float32)
    return {"x": x, "W": W, "b": b}


def _patchify(x, patch_size):
    N, H, Wd, C = x.shape
    h, w = patch_size
    x = x.reshape(N, H // h, h, Wd // w, w, C)
    x = jnp.transpose(x, (0, 1, 3, 2, 4, 5))
    x = x.reshape(N, (H // h) * (Wd // w), h * w * C)
    return x


def _get_patch_indexes(tot_size, required_size, batch_size):
    Hn, Wn = tot_size
    h, w = required_size
    arange_h = jnp.arange(h, dtype=jnp.int64 if jax.config.jax_enable_x64 else jnp.int32)
    arange_w = jnp.arange(w, dtype=arange_h.dtype)
    ans = (arange_h * Wn)[:, None] + arange_w[None, :]
    ans = ans.reshape(1, h * w)
    return jnp.broadcast_to(ans, (batch_size, h * w))


def reference(x, W, b):
    batch_size, img_h, img_w, img_c = x.shape
    ph, pw = PATCH_SIZE
    patches = _patchify(x, PATCH_SIZE)
    max_npatches = (MAX_SIZE[0] // ph, MAX_SIZE[1] // pw)
    img_npatches = (img_h // ph, img_w // pw)
    patch_indexes = _get_patch_indexes(max_npatches, img_npatches, batch_size)
    emb = patches @ W + b
    return emb, patch_indexes

if __name__ == "__main__":
    import jax
    _d = setup_inputs()
    print(jax.jit(kernel)(*tuple(_d.values())))

</pallas_src>

<mosaic_0001>
#map = affine_map<(d0, d1) -> (0, 0)>
module attributes {stable_mosaic.version = 14 : i64} {
  func.func @idx_kernel(%arg0: i32, %arg1: i32, %arg2: memref<32x16384xi32, #tpu.memory_space<hbm>>, %arg3: memref<16384xi32, #tpu.memory_space<vmem>>) attributes {dimension_semantics = [#tpu.dimension_semantics<core_parallel>, #tpu.dimension_semantics<subcore_parallel>], iteration_bounds = array<i64: 2, 16>, scalar_prefetch = 0 : i64, scratch_operands = 1 : i64, tpu.core_type = #tpu.core_type<sc_vector_subcore>, window_params = [{transform_indices = #map}]} {
    %mul3A = arith.constant 2 : i32
    %mul3A_0 = arith.muli %arg1, %mul3A : i32
    %add3A = arith.addi %mul3A_0, %arg0 : i32
    %scan3A = arith.constant 0 : i32
    %scan3A_1 = arith.constant 0 : i32
    %scan3A_2 = arith.constant 1024 : i32
    %scan3A_3 = arith.addi %scan3A_1, %scan3A_2 : i32
    %scan3A_4 = arith.constant 1 : i32
    scf.for %scan3A_6 = %scan3A_1 to %scan3A_3 step %scan3A_4  : i32 {
      %iota3A = tpu.iota {dimensions = array<i32: 0>} : vector<16xi32>
      %mul3A_7 = arith.constant 16 : i32
      %mul3A_8 = arith.muli %scan3A_6, %mul3A_7 : i32
      %add3A_9 = vector.broadcast %mul3A_8 : i32 to vector<16xi32>
      %add3A_10 = arith.addi %iota3A, %add3A_9 : vector<16xi32>
      %mul3A_11 = arith.constant 16 : i32
      %mul3A_12 = arith.muli %scan3A_6, %mul3A_11 : i32
      %swap3A = arith.index_cast %mul3A_12 : i32 to index
      %swap3A_13 = tpu.vector_load %arg3[%swap3A] {strides = array<i32>} : memref<16384xi32, #tpu.memory_space<vmem>>, vector<16xi32>,
      %swap3A_14 = vector.shape_cast %swap3A_13 : vector<16xi32> to vector<16xi32>
      %swap3A_15 = vector.shape_cast %add3A_10 : vector<16xi32> to vector<16xi32>
      tpu.vector_store %arg3[%swap3A], %swap3A_15 {strides = array<i32>} : memref<16384xi32, #tpu.memory_space<vmem>>, vector<16xi32>,
    }
    %scan3A_5 = arith.constant 1024 : i32
    "tpu.region"() ({
      %run_scoped3A = tpu.sem_alloc : memref<!tpu.dma_semaphore, #tpu.memory_space<semaphore_mem>>
      %dma_start3A = arith.constant 0 : i32
      %dma_start3A_6 = tpu.memref_slice %arg2[%add3A, %dma_start3A] : memref<32x16384xi32, #tpu.memory_space<hbm>> -> memref<1x16384xi32, #tpu.memory_space<hbm>>
      %dma_start3A_7 = tpu.memref_squeeze %dma_start3A_6 : memref<1x16384xi32, #tpu.memory_space<hbm>> -> memref<16384xi32, #tpu.memory_space<hbm>>
      %dma_start3A_8 = arith.constant 0 : i32
      %dma_start3A_9 = tpu.memref_slice %arg2[%add3A, %dma_start3A_8] : memref<32x16384xi32, #tpu.memory_space<hbm>> -> memref<1x16384xi32, #tpu.memory_space<hbm>>
      %dma_start3A_10 = tpu.memref_squeeze %dma_start3A_9 : memref<1x16384xi32, #tpu.memory_space<hbm>> -> memref<16384xi32, #tpu.memory_space<hbm>>
      tpu.enqueue_dma source(%arg3 : memref<16384xi32, #tpu.memory_space<vmem>>) target(%dma_start3A_10 : memref<16384xi32, #tpu.memory_space<hbm>>) target_semaphore(%run_scoped3A : memref<!tpu.dma_semaphore, #tpu.memory_space<semaphore_mem>>)
      %dma_wait3A = arith.constant 0 : i32
      %dma_wait3A_11 = tpu.memref_slice %arg2[%add3A, %dma_wait3A] : memref<32x16384xi32, #tpu.memory_space<hbm>> -> memref<1x16384xi32, #tpu.memory_space<hbm>>
      %dma_wait3A_12 = tpu.memref_squeeze %dma_wait3A_11 : memref<1x16384xi32, #tpu.memory_space<hbm>> -> memref<16384xi32, #tpu.memory_space<hbm>>
      %dma_wait3A_13 = arith.constant 0 : i32
      %dma_wait3A_14 = tpu.memref_slice %arg2[%add3A, %dma_wait3A_13] : memref<32x16384xi32, #tpu.memory_space<hbm>> -> memref<1x16384xi32, #tpu.memory_space<hbm>>
      %dma_wait3A_15 = tpu.memref_squeeze %dma_wait3A_14 : memref<1x16384xi32, #tpu.memory_space<hbm>> -> memref<16384xi32, #tpu.memory_space<hbm>>
      tpu.wait_dma2 semaphore(%run_scoped3A : memref<!tpu.dma_semaphore, #tpu.memory_space<semaphore_mem>>) src(%arg3 : memref<16384xi32, #tpu.memory_space<vmem>>) dst(%dma_wait3A_15 : memref<16384xi32, #tpu.memory_space<hbm>>)
      tpu.yield
    }) : () -> ()
    return
  }
}

module attributes {stable_mosaic.version = 14 : i64} {
  func.func @_emb_kernel(%arg0: i32, %arg1: i32, %arg2: memref<1x3x512x512xf32, #tpu.memory_space<vmem>>, %arg3: memref<512x512xf32, #tpu.memory_space<vmem>>, %arg4: memref<96x48xf32, #tpu.memory_space<vmem>>, %arg5: memref<96x1xf32, #tpu.memory_space<vmem>>, %arg6: memref<1x96x16384xf32, #tpu.memory_space<vmem>>) attributes {dimension_semantics = [#tpu.dimension_semantics<arbitrary>, #tpu.dimension_semantics<arbitrary>], iteration_bounds = array<i64: 32, 1>, scalar_prefetch = 0 : i64, scratch_operands = 0 : i64, tpu.core_type = #tpu.core_type<tc>, window_params = [{transform_indices = @transform_0, window_bounds = array<i64: 1, 3, 512, 512>}, {pipeline_mode = #tpu.pipeline_mode<synchronous>, transform_indices = @transform_1, window_bounds = array<i64: 512, 512>}, {pipeline_mode = #tpu.pipeline_mode<synchronous>, transform_indices = @transform_2, window_bounds = array<i64: 96, 48>}, {pipeline_mode = #tpu.pipeline_mode<synchronous>, transform_indices = @transform_3, window_bounds = array<i64: 96, 1>}, {transform_indices = @transform_4, window_bounds = array<i64: 1, 96, 16384>}]} {
    %get3A = arith.constant 0 : index
    %get3A_0 = arith.constant 0 : index
    %get3A_1 = arith.constant 0 : index
    %get3A_2 = arith.constant 0 : index
    %get3A_3 = vector.load %arg2[%get3A, %get3A_0, %get3A_1, %get3A_2] : memref<1x3x512x512xf32, #tpu.memory_space<vmem>>, vector<1x1x512x512xf32>
    %get3A_4 = vector.shape_cast %get3A_3 : vector<1x1x512x512xf32> to vector<512x512xf32>
    %get3A_5 = arith.constant 0 : index
    %get3A_6 = arith.constant 0 : index
    %get3A_7 = vector.load %arg3[%get3A_5, %get3A_6] : memref<512x512xf32, #tpu.memory_space<vmem>>, vector<512x512xf32>
    %dot_general3A = arith.constant dense<0.000000e+00> : vector<512x512xf32>
    %dot_general3A_8 = tpu.matmul %get3A_4, %get3A_7, %dot_general3A {dimension_numbers = #tpu.dot_dimension_numbers<[1], [0], [0], [1], [0, 0, 1, 1], [], []>, transpose_lhs_hint = false} : vector<512x512xf32>, vector<512x512xf32>, vector<512x512xf32> -> vector<512x512xf32>
    %slice3A = vector.extract_strided_slice %dot_general3A_8 {offsets = [0, 0], sizes = [512, 128], strides = [1, 1]} : vector<512x512xf32> to vector<512x128xf32>
    %reshape3A = vector.shape_cast %slice3A : vector<512x128xf32> to vector<128x4x128xf32>
    %slice3A_9 = vector.extract_strided_slice %reshape3A {offsets = [0, 0, 0], sizes = [128, 1, 128], strides = [1, 1, 1]} : vector<128x4x128xf32> to vector<128x1x128xf32>
    %squeeze3A = vector.shape_cast %slice3A_9 : vector<128x1x128xf32> to vector<128x128xf32>
    %slice3A_10 = vector.extract_strided_slice %reshape3A {offsets = [0, 1, 0], sizes = [128, 1, 128], strides = [1, 1, 1]} : vector<128x4x128xf32> to vector<128x1x128xf32>
    %squeeze3A_11 = vector.shape_cast %slice3A_10 : vector<128x1x128xf32> to vector<128x128xf32>
    %slice3A_12 = vector.extract_strided_slice %reshape3A {offsets = [0, 2, 0], sizes = [128, 1, 128], strides = [1, 1, 1]} : vector<128x4x128xf32> to vector<128x1x128xf32>
    %squeeze3A_13 = vector.shape_cast %slice3A_12 : vector<128x1x128xf32> to vector<128x128xf32>
    %slice3A_14 = vector.extract_strided_slice %reshape3A {offsets = [0, 3, 0], sizes = [128, 1, 128], strides = [1, 1, 1]} : vector<128x4x128xf32> to vector<128x1x128xf32>
    %squeeze3A_15 = vector.shape_cast %slice3A_14 : vector<128x1x128xf32> to vector<128x128xf32>
    %slice3A_16 = vector.extract_strided_slice %dot_general3A_8 {offsets = [0, 128], sizes = [512, 128], strides = [1, 1]} : vector<512x512xf32> to vector<512x128xf32>
    %reshape3A_17 = vector.shape_cast %slice3A_16 : vector<512x128xf32> to vector<128x4x128xf32>
    %slice3A_18 = vector.extract_strided_slice %reshape3A_17 {offsets = [0, 0, 0], sizes = [128, 1, 128], strides = [1, 1, 1]} : vector<128x4x128xf32> to vector<128x1x128xf32>
    %squeeze3A_19 = vector.shape_cast %slice3A_18 : vector<128x1x128xf32> to vector<128x128xf32>
    %slice3A_20 = vector.extract_strided_slice %reshape3A_17 {offsets = [0, 1, 0], sizes = [128, 1, 128], strides = [1, 1, 1]} : vector<128x4x128xf32> to vector<128x1x128xf32>
    %squeeze3A_21 = vector.shape_cast %slice3A_20 : vector<128x1x128xf32> to vector<128x128xf32>
    %slice3A_22 = vector.extract_strided_slice %reshape3A_17 {offsets = [0, 2, 0], sizes = [128, 1, 128], strides = [1, 1, 1]} : vector<128x4x128xf32> to vector<128x1x128xf32>
    %squeeze3A_23 = vector.shape_cast %slice3A_22 : vector<128x1x128xf32> to vector<128x128xf32>
    %slice3A_24 = vector.extract_strided_slice %reshape3A_17 {offsets = [0, 3, 0], sizes = [128, 1, 128], strides = [1, 1, 1]} : vector<128x4x128xf32> to vector<128x1x128xf32>
    %squeeze3A_25 = vector.shape_cast %slice3A_24 : vector<128x1x128xf32> to vector<128x128xf32>
    %slice3A_26 = vector.extract_strided_slice %dot_general3A_8 {offsets = [0, 256], sizes = [512, 128], strides = [1, 1]} : vector<512x512xf32> to vector<512x128xf32>
    %reshape3A_27 = vector.shape_cast %slice3A_26 : vector<512x128xf32> to vector<128x4x128xf32>
    %slice3A_28 = vector.extract_strided_slice %reshape3A_27 {offsets = [0, 0, 0], sizes = [128, 1, 128], strides = [1, 1, 1]} : vector<128x4x128xf32> to vector<128x1x128xf32>
    %squeeze3A_29 = vector.shape_cast %slice3A_28 : vector<128x1x128xf32> to vector<128x128xf32>
    %slice3A_30 = vector.extract_strided_slice %reshape3A_27 {offsets = [0, 1, 0], sizes = [128, 1, 128], strides = [1, 1, 1]} : vector<128x4x128xf32> to vector<128x1x128xf32>
    %squeeze3A_31 = vector.shape_cast %slice3A_30 : vector<128x1x128xf32> to vector<128x128xf32>
    %slice3A_32 = vector.extract_strided_slice %reshape3A_27 {offsets = [0, 2, 0], sizes = [128, 1, 128], strides = [1, 1, 1]} : vector<128x4x128xf32> to vector<128x1x128xf32>
    %squeeze3A_33 = vector.shape_cast %slice3A_32 : vector<128x1x128xf32> to vector<128x128xf32>
    %slice3A_34 = vector.extract_strided_slice %reshape3A_27 {offsets = [0, 3, 0], sizes = [128, 1, 128], strides = [1, 1, 1]} : vector<128x4x128xf32> to vector<128x1x128xf32>
    %squeeze3A_35 = vector.shape_cast %slice3A_34 : vector<128x1x128xf32> to vector<128x128xf32>
    %slice3A_36 = vector.extract_strided_slice %dot_general3A_8 {offsets = [0, 384], sizes = [512, 128], strides = [1, 1]} : vector<512x512xf32> to vector<512x128xf32>
    %reshape3A_37 = vector.shape_cast %slice3A_36 : vector<512x128xf32> to vector<128x4x128xf32>
    %slice3A_38 = vector.extract_strided_slice %reshape3A_37 {offsets = [0, 0, 0], sizes = [128, 1, 128], strides = [1, 1, 1]} : vector<128x4x128xf32> to vector<128x1x128xf32>
    %squeeze3A_39 = vector.shape_cast %slice3A_38 : vector<128x1x128xf32> to vector<128x128xf32>
    %slice3A_40 = vector.extract_strided_slice %reshape3A_37 {offsets = [0, 1, 0], sizes = [128, 1, 128], strides = [1, 1, 1]} : vector<128x4x128xf32> to vector<128x1x128xf32>
    %squeeze3A_41 = vector.shape_cast %slice3A_40 : vector<128x1x128xf32> to vector<128x128xf32>
    %slice3A_42 = vector.extract_strided_slice %reshape3A_37 {offsets = [0, 2, 0], sizes = [128, 1, 128], strides = [1, 1, 1]} : vector<128x4x128xf32> to vector<128x1x128xf32>
    %squeeze3A_43 = vector.shape_cast %slice3A_42 : vector<128x1x128xf32> to vector<128x128xf32>
    %slice3A_44 = vector.extract_strided_slice %reshape3A_37 {offsets = [0, 3, 0], sizes = [128, 1, 128], strides = [1, 1, 1]} : vector<128x4x128xf32> to vector<128x1x128xf32>
    %squeeze3A_45 = vector.shape_cast %slice3A_44 : vector<128x1x128xf32> to vector<128x128xf32>
    %get3A_46 = arith.constant 0 : index
    %get3A_47 = arith.constant 1 : index
    %get3A_48 = arith.constant 0 : index
    %get3A_49 = arith.constant 0 : index
    %get3A_50 = vector.load %arg2[%get3A_46, %get3A_47, %get3A_48, %get3A_49] : memref<1x3x512x512xf32, #tpu.memory_space<vmem>>, vector<1x1x512x512xf32>
    %get3A_51 = vector.shape_cast %get3A_50 : vector<1x1x512x512xf32> to vector<512x512xf32>
    %get3A_52 = arith.constant 0 : index
    %get3A_53 = arith.constant 0 : index
    %get3A_54 = vector.load %arg3[%get3A_52, %get3A_53] : memref<512x512xf32, #tpu.memory_space<vmem>>, vector<512x512xf32>
    %dot_general3A_55 = arith.constant dense<0.000000e+00> : vector<512x512xf32>
    %dot_general3A_56 = tpu.matmul %get3A_51, %get3A_54, %dot_general3A_55 {dimension_numbers = #tpu.dot_dimension_numbers<[1], [0], [0], [1], [0, 0, 1, 1], [], []>, transpose_lhs_hint = false} : vector<512x512xf32>, vector<512x512xf32>, vector<512x512xf32> -> vector<512x512xf32>
    %slice3A_57 = vector.extract_strided_slice %dot_general3A_56 {offsets = [0, 0], sizes = [512, 128], strides = [1, 1]} : vector<512x512xf32> to vector<512x128xf32>
    %reshape3A_58 = vector.shape_cast %slice3A_57 : vector<512x128xf32> to vector<128x4x128xf32>
    %slice3A_59 = vector.extract_strided_slice %reshape3A_58 {offsets = [0, 0, 0], sizes = [128, 1, 128], strides = [1, 1, 1]} : vector<128x4x128xf32> to vector<128x1x128xf32>
    %squeeze3A_60 = vector.shape_cast %slice3A_59 : vector<128x1x128xf32> to vector<128x128xf32>
    %slice3A_61 = vector.extract_strided_slice %reshape3A_58 {offsets = [0, 1, 0], sizes = [128, 1, 128], strides = [1, 1, 1]} : vector<128x4x128xf32> to vector<128x1x128xf32>
    %squeeze3A_62 = vector.shape_cast %slice3A_61 : vector<128x1x128xf32> to vector<128x128xf32>
    %slice3A_63 = vector.extract_strided_slice %reshape3A_58 {offsets = [0, 2, 0], sizes = [128, 1, 128], strides = [1, 1, 1]} : vector<128x4x128xf32> to vector<128x1x128xf32>
    %squeeze3A_64 = vector.shape_cast %slice3A_63 : vector<128x1x128xf32> to vector<128x128xf32>
    %slice3A_65 = vector.extract_strided_slice %reshape3A_58 {offsets = [0, 3, 0], sizes = [128, 1, 128], strides = [1, 1, 1]} : vector<128x4x128xf32> to vector<128x1x128xf32>
    %squeeze3A_66 = vector.shape_cast %slice3A_65 : vector<128x1x128xf32> to vector<128x128xf32>
    %slice3A_67 = vector.extract_strided_slice %dot_general3A_56 {offsets = [0, 128], sizes = [512, 128], strides = [1, 1]} : vector<512x512xf32> to vector<512x128xf32>
    %reshape3A_68 = vector.shape_cast %slice3A_67 : vector<512x128xf32> to vector<128x4x128xf32>
    %slice3A_69 = vector.extract_strided_slice %reshape3A_68 {offsets = [0, 0, 0], sizes = [128, 1, 128], strides = [1, 1, 1]} : vector<128x4x128xf32> to vector<128x1x128xf32>
    %squeeze3A_70 = vector.shape_cast %slice3A_69 : vector<128x1x128xf32> to vector<128x128xf32>
    %slice3A_71 = vector.extract_strided_slice %reshape3A_68 {offsets = [0, 1, 0], sizes = [128, 1, 128], strides = [1, 1, 1]} : vector<128x4x128xf32> to vector<128x1x128xf32>
    %squeeze3A_72 = vector.shape_cast %slice3A_71 : vector<128x1x128xf32> to vector<128x128xf32>
    %slice3A_73 = vector.extract_strided_slice %reshape3A_68 {offsets = [0, 2, 0], sizes = [128, 1, 128], strides = [1, 1, 1]} : vector<128x4x128xf32> to vector<128x1x128xf32>
    %squeeze3A_74 = vector.shape_cast %slice3A_73 : vector<128x1x128xf32> to vector<128x128xf32>
    %slice3A_75 = vector.extract_strided_slice %reshape3A_68 {offsets = [0, 3, 0], sizes = [128, 1, 128], strides = [1, 1, 1]} : vector<128x4x128xf32> to vector<128x1x128xf32>
    %squeeze3A_76 = vector.shape_cast %slice3A_75 : vector<128x1x128xf32> to vector<128x128xf32>
    %slice3A_77 = vector.extract_strided_slice %dot_general3A_56 {offsets = [0, 256], sizes = [512, 128], strides = [1, 1]} : vector<512x512xf32> to vector<512x128xf32>
    %reshape3A_78 = vector.shape_cast %slice3A_77 : vector<512x128xf32> to vector<128x4x128xf32>
    %slice3A_79 = vector.extract_strided_slice %reshape3A_78 {offsets = [0, 0, 0], sizes = [128, 1, 128], strides = [1, 1, 1]} : vector<128x4x128xf32> to vector<128x1x128xf32>
    %squeeze3A_80 = vector.shape_cast %slice3A_79 : vector<128x1x128xf32> to vector<128x128xf32>
    %slice3A_81 = vector.extract_strided_slice %reshape3A_78 {offsets = [0, 1, 0], sizes = [128, 1, 128], strides = [1, 1, 1]} : vector<128x4x128xf32> to vector<128x1x128xf32>
    %squeeze3A_82 = vector.shape_cast %slice3A_81 : vector<128x1x128xf32> to vector<128x128xf32>
    %slice3A_83 = vector.extract_strided_slice %reshape3A_78 {offsets = [0, 2, 0], sizes = [128, 1, 128], strides = [1, 1, 1]} : vector<128x4x128xf32> to vector<128x1x128xf32>
    %squeeze3A_84 = vector.shape_cast %slice3A_83 : vector<128x1x128xf32> to vector<128x128xf32>
    %slice3A_85 = vector.extract_strided_slice %reshape3A_78 {offsets = [0, 3, 0], sizes = [128, 1, 128], strides = [1, 1, 1]} : vector<128x4x128xf32> to vector<128x1x128xf32>
    %squeeze3A_86 = vector.shape_cast %slice3A_85 : vector<128x1x128xf32> to vector<128x128xf32>
    %slice3A_87 = vector.extract_strided_slice %dot_general3A_56 {offsets = [0, 384], sizes = [512, 128], strides = [1, 1]} : vector<512x512xf32> to vector<512x128xf32>
    %reshape3A_88 = vector.shape_cast %slice3A_87 : vector<512x128xf32> to vector<128x4x128xf32>
    %slice3A_89 = vector.extract_strided_slice %reshape3A_88 {offsets = [0, 0, 0], sizes = [128, 1, 128], strides = [1, 1, 1]} : vector<128x4x128xf32> to vector<128x1x128xf32>
    %squeeze3A_90 = vector.shape_cast %slice3A_89 : vector<128x1x128xf32> to vector<128x128xf32>
    %slice3A_91 = vector.extract_strided_slice %reshape3A_88 {offsets = [0, 1, 0], sizes = [128, 1, 128], strides = [1, 1, 1]} : vector<128x4x128xf32> to vector<128x1x128xf32>
    %squeeze3A_92 = vector.shape_cast %slice3A_91 : vector<128x1x128xf32> to vector<128x128xf32>
    %slice3A_93 = vector.extract_strided_slice %reshape3A_88 {offsets = [0, 2, 0], sizes = [128, 1, 128], strides = [1, 1, 1]} : vector<128x4x128xf32> to vector<128x1x128xf32>
    %squeeze3A_94 = vector.shape_cast %slice3A_93 : vector<128x1x128xf32> to vector<128x128xf32>
    %slice3A_95 = vector.extract_strided_slice %reshape3A_88 {offsets = [0, 3, 0], sizes = [128, 1, 128], strides = [1, 1, 1]} : vector<128x4x128xf32> to vector<128x1x128xf32>
    %squeeze3A_96 = vector.shape_cast %slice3A_95 : vector<128x1x128xf32> to vector<128x128xf32>
    %get3A_97 = arith.constant 0 : index
    %get3A_98 = arith.constant 2 : index
    %get3A_99 = arith.constant 0 : index
    %get3A_100 = arith.constant 0 : index
    %get3A_101 = vector.load %arg2[%get3A_97, %get3A_98, %get3A_99, %get3A_100] : memref<1x3x512x512xf32, #tpu.memory_space<vmem>>, vector<1x1x512x512xf32>
    %get3A_102 = vector.shape_cast %get3A_101 : vector<1x1x512x512xf32> to vector<512x512xf32>
    %get3A_103 = arith.constant 0 : index
    %get3A_104 = arith.constant 0 : index
    %get3A_105 = vector.load %arg3[%get3A_103, %get3A_104] : memref<512x512xf32, #tpu.memory_space<vmem>>, vector<512x512xf32>
    %dot_general3A_106 = arith.constant dense<0.000000e+00> : vector<512x512xf32>
    %dot_general3A_107 = tpu.matmul %get3A_102, %get3A_105, %dot_general3A_106 {dimension_numbers = #tpu.dot_dimension_numbers<[1], [0], [0], [1], [0, 0, 1, 1], [], []>, transpose_lhs_hint = false} : vector<512x512xf32>, vector<512x512xf32>, vector<512x512xf32> -> vector<512x512xf32>
    %slice3A_108 = vector.extract_strided_slice %dot_general3A_107 {offsets = [0, 0], sizes = [512, 128], strides = [1, 1]} : vector<512x512xf32> to vector<512x128xf32>
    %reshape3A_109 = vector.shape_cast %slice3A_108 : vector<512x128xf32> to vector<128x4x128xf32>
    %slice3A_110 = vector.extract_strided_slice %reshape3A_109 {offsets = [0, 0, 0], sizes = [128, 1, 128], strides = [1, 1, 1]} : vector<128x4x128xf32> to vector<128x1x128xf32>
    %squeeze3A_111 = vector.shape_cast %slice3A_110 : vector<128x1x128xf32> to vector<128x128xf32>
    %slice3A_112 = vector.extract_strided_slice %reshape3A_109 {offsets = [0, 1, 0], sizes = [128, 1, 128], strides = [1, 1, 1]} : vector<128x4x128xf32> to vector<128x1x128xf32>
    %squeeze3A_113 = vector.shape_cast %slice3A_112 : vector<128x1x128xf32> to vector<128x128xf32>
    %slice3A_114 = vector.extract_strided_slice %reshape3A_109 {offsets = [0, 2, 0], sizes = [128, 1, 128], strides = [1, 1, 1]} : vector<128x4x128xf32> to vector<128x1x128xf32>
    %squeeze3A_115 = vector.shape_cast %slice3A_114 : vector<128x1x128xf32> to vector<128x128xf32>
    %slice3A_116 = vector.extract_strided_slice %reshape3A_109 {offsets = [0, 3, 0], sizes = [128, 1, 128], strides = [1, 1, 1]} : vector<128x4x128xf32> to vector<128x1x128xf32>
    %squeeze3A_117 = vector.shape_cast %slice3A_116 : vector<128x1x128xf32> to vector<128x128xf32>
    %slice3A_118 = vector.extract_strided_slice %dot_general3A_107 {offsets = [0, 128], sizes = [512, 128], strides = [1, 1]} : vector<512x512xf32> to vector<512x128xf32>
    %reshape3A_119 = vector.shape_cast %slice3A_118 : vector<512x128xf32> to vector<128x4x128xf32>
    %slice3A_120 = vector.extract_strided_slice %reshape3A_119 {offsets = [0, 0, 0], sizes = [128, 1, 128], strides = [1, 1, 1]} : vector<128x4x128xf32> to vector<128x1x128xf32>
    %squeeze3A_121 = vector.shape_cast %slice3A_120 : vector<128x1x128xf32> to vector<128x128xf32>
    %slice3A_122 = vector.extract_strided_slice %reshape3A_119 {offsets = [0, 1, 0], sizes = [128, 1, 128], strides = [1, 1, 1]} : vector<128x4x128xf32> to vector<128x1x128xf32>
    %squeeze3A_123 = vector.shape_cast %slice3A_122 : vector<128x1x128xf32> to vector<128x128xf32>
    %slice3A_124 = vector.extract_strided_slice %reshape3A_119 {offsets = [0, 2, 0], sizes = [128, 1, 128], strides = [1, 1, 1]} : vector<128x4x128xf32> to vector<128x1x128xf32>
    %squeeze3A_125 = vector.shape_cast %slice3A_124 : vector<128x1x128xf32> to vector<128x128xf32>
    %slice3A_126 = vector.extract_strided_slice %reshape3A_119 {offsets = [0, 3, 0], sizes = [128, 1, 128], strides = [1, 1, 1]} : vector<128x4x128xf32> to vector<128x1x128xf32>
    %squeeze3A_127 = vector.shape_cast %slice3A_126 : vector<128x1x128xf32> to vector<128x128xf32>
    %slice3A_128 = vector.extract_strided_slice %dot_general3A_107 {offsets = [0, 256], sizes = [512, 128], strides = [1, 1]} : vector<512x512xf32> to vector<512x128xf32>
    %reshape3A_129 = vector.shape_cast %slice3A_128 : vector<512x128xf32> to vector<128x4x128xf32>
    %slice3A_130 = vector.extract_strided_slice %reshape3A_129 {offsets = [0, 0, 0], sizes = [128, 1, 128], strides = [1, 1, 1]} : vector<128x4x128xf32> to vector<128x1x128xf32>
    %squeeze3A_131 = vector.shape_cast %slice3A_130 : vector<128x1x128xf32> to vector<128x128xf32>
    %slice3A_132 = vector.extract_strided_slice %reshape3A_129 {offsets = [0, 1, 0], sizes = [128, 1, 128], strides = [1, 1, 1]} : vector<128x4x128xf32> to vector<128x1x128xf32>
    %squeeze3A_133 = vector.shape_cast %slice3A_132 : vector<128x1x128xf32> to vector<128x128xf32>
    %slice3A_134 = vector.extract_strided_slice %reshape3A_129 {offsets = [0, 2, 0], sizes = [128, 1, 128], strides = [1, 1, 1]} : vector<128x4x128xf32> to vector<128x1x128xf32>
    %squeeze3A_135 = vector.shape_cast %slice3A_134 : vector<128x1x128xf32> to vector<128x128xf32>
    %slice3A_136 = vector.extract_strided_slice %reshape3A_129 {offsets = [0, 3, 0], sizes = [128, 1, 128], strides = [1, 1, 1]} : vector<128x4x128xf32> to vector<128x1x128xf32>
    %squeeze3A_137 = vector.shape_cast %slice3A_136 : vector<128x1x128xf32> to vector<128x128xf32>
    %slice3A_138 = vector.extract_strided_slice %dot_general3A_107 {offsets = [0, 384], sizes = [512, 128], strides = [1, 1]} : vector<512x512xf32> to vector<512x128xf32>
    %reshape3A_139 = vector.shape_cast %slice3A_138 : vector<512x128xf32> to vector<128x4x128xf32>
    %slice3A_140 = vector.extract_strided_slice %reshape3A_139 {offsets = [0, 0, 0], sizes = [128, 1, 128], strides = [1, 1, 1]} : vector<128x4x128xf32> to vector<128x1x128xf32>
    %squeeze3A_141 = vector.shape_cast %slice3A_140 : vector<128x1x128xf32> to vector<128x128xf32>
    %slice3A_142 = vector.extract_strided_slice %reshape3A_139 {offsets = [0, 1, 0], sizes = [128, 1, 128], strides = [1, 1, 1]} : vector<128x4x128xf32> to vector<128x1x128xf32>
    %squeeze3A_143 = vector.shape_cast %slice3A_142 : vector<128x1x128xf32> to vector<128x128xf32>
    %slice3A_144 = vector.extract_strided_slice %reshape3A_139 {offsets = [0, 2, 0], sizes = [128, 1, 128], strides = [1, 1, 1]} : vector<128x4x128xf32> to vector<128x1x128xf32>
    %squeeze3A_145 = vector.shape_cast %slice3A_144 : vector<128x1x128xf32> to vector<128x128xf32>
    %slice3A_146 = vector.extract_strided_slice %reshape3A_139 {offsets = [0, 3, 0], sizes = [128, 1, 128], strides = [1, 1, 1]} : vector<128x4x128xf32> to vector<128x1x128xf32>
    %squeeze3A_147 = vector.shape_cast %slice3A_146 : vector<128x1x128xf32> to vector<128x128xf32>
    %stack3A = vector.shape_cast %squeeze3A : vector<128x128xf32> to vector<1x128x128xf32>
    %stack3A_148 = vector.shape_cast %squeeze3A_11 : vector<128x128xf32> to vector<1x128x128xf32>
    %stack3A_149 = vector.shape_cast %squeeze3A_13 : vector<128x128xf32> to vector<1x128x128xf32>
    %stack3A_150 = vector.shape_cast %squeeze3A_15 : vector<128x128xf32> to vector<1x128x128xf32>
    %stack3A_151 = vector.shape_cast %squeeze3A_19 : vector<128x128xf32> to vector<1x128x128xf32>
    %stack3A_152 = vector.shape_cast %squeeze3A_21 : vector<128x128xf32> to vector<1x128x128xf32>
    %stack3A_153 = vector.shape_cast %squeeze3A_23 : vector<128x128xf32> to vector<1x128x128xf32>
    %stack3A_154 = vector.shape_cast %squeeze3A_25 : vector<128x128xf32> to vector<1x128x128xf32>
    %stack3A_155 = vector.shape_cast %squeeze3A_29 : vector<128x128xf32> to vector<1x128x128xf32>
    %stack3A_156 = vector.shape_cast %squeeze3A_31 : vector<128x128xf32> to vector<1x128x128xf32>
    %stack3A_157 = vector.shape_cast %squeeze3A_33 : vector<128x128xf32> to vector<1x128x128xf32>
    %stack3A_158 = vector.shape_cast %squeeze3A_35 : vector<128x128xf32> to vector<1x128x128xf32>
    %stack3A_159 = vector.shape_cast %squeeze3A_39 : vector<128x128xf32> to vector<1x128x128xf32>
    %stack3A_160 = vector.shape_cast %squeeze3A_41 : vector<128x128xf32> to vector<1x128x128xf32>
    %stack3A_161 = vector.shape_cast %squeeze3A_43 : vector<128x128xf32> to vector<1x128x128xf32>
    %stack3A_162 = vector.shape_cast %squeeze3A_45 : vector<128x128xf32> to vector<1x128x128xf32>
    %stack3A_163 = vector.shape_cast %squeeze3A_60 : vector<128x128xf32> to vector<1x128x128xf32>
    %stack3A_164 = vector.shape_cast %squeeze3A_62 : vector<128x128xf32> to vector<1x128x128xf32>
    %stack3A_165 = vector.shape_cast %squeeze3A_64 : vector<128x128xf32> to vector<1x128x128xf32>
    %stack3A_166 = vector.shape_cast %squeeze3A_66 : vector<128x128xf32> to vector<1x128x128xf32>
    %stack3A_167 = vector.shape_cast %squeeze3A_70 : vector<128x128xf32> to vector<1x128x128xf32>
    %stack3A_168 = vector.shape_cast %squeeze3A_72 : vector<128x128xf32> to vector<1x128x128xf32>
    %stack3A_169 = vector.shape_cast %squeeze3A_74 : vector<128x128xf32> to vector<1x128x128xf32>
    %stack3A_170 = vector.shape_cast %squeeze3A_76 : vector<128x128xf32> to vector<1x128x128xf32>
    %stack3A_171 = vector.shape_cast %squeeze3A_80 : vector<128x128xf32> to vector<1x128x128xf32>
    %stack3A_172 = vector.shape_cast %squeeze3A_82 : vector<128x128xf32> to vector<1x128x128xf32>
    %stack3A_173 = vector.shape_cast %squeeze3A_84 : vector<128x128xf32> to vector<1x128x128xf32>
    %stack3A_174 = vector.shape_cast %squeeze3A_86 : vector<128x128xf32> to vector<1x128x128xf32>
    %stack3A_175 = vector.shape_cast %squeeze3A_90 : vector<128x128xf32> to vector<1x128x128xf32>
    %stack3A_176 = vector.shape_cast %squeeze3A_92 : vector<128x128xf32> to vector<1x128x128xf32>
    %stack3A_177 = vector.shape_cast %squeeze3A_94 : vector<128x128xf32> to vector<1x128x128xf32>
    %stack3A_178 = vector.shape_cast %squeeze3A_96 : vector<128x128xf32> to vector<1x128x128xf32>
    %stack3A_179 = vector.shape_cast %squeeze3A_111 : vector<128x128xf32> to vector<1x128x128xf32>
    %stack3A_180 = vector.shape_cast %squeeze3A_113 : vector<128x128xf32> to vector<1x128x128xf32>
    %stack3A_181 = vector.shape_cast %squeeze3A_115 : vector<128x128xf32> to vector<1x128x128xf32>
    %stack3A_182 = vector.shape_cast %squeeze3A_117 : vector<128x128xf32> to vector<1x128x128xf32>
    %stack3A_183 = vector.shape_cast %squeeze3A_121 : vector<128x128xf32> to vector<1x128x128xf32>
    %stack3A_184 = vector.shape_cast %squeeze3A_123 : vector<128x128xf32> to vector<1x128x128xf32>
    %stack3A_185 = vector.shape_cast %squeeze3A_125 : vector<128x128xf32> to vector<1x128x128xf32>
    %stack3A_186 = vector.shape_cast %squeeze3A_127 : vector<128x128xf32> to vector<1x128x128xf32>
    %stack3A_187 = vector.shape_cast %squeeze3A_131 : vector<128x128xf32> to vector<1x128x128xf32>
    %stack3A_188 = vector.shape_cast %squeeze3A_133 : vector<128x128xf32> to vector<1x128x128xf32>
    %stack3A_189 = vector.shape_cast %squeeze3A_135 : vector<128x128xf32> to vector<1x128x128xf32>
    %stack3A_190 = vector.shape_cast %squeeze3A_137 : vector<128x128xf32> to vector<1x128x128xf32>
    %stack3A_191 = vector.shape_cast %squeeze3A_141 : vector<128x128xf32> to vector<1x128x128xf32>
    %stack3A_192 = vector.shape_cast %squeeze3A_143 : vector<128x128xf32> to vector<1x128x128xf32>
    %stack3A_193 = vector.shape_cast %squeeze3A_145 : vector<128x128xf32> to vector<1x128x128xf32>
    %stack3A_194 = vector.shape_cast %squeeze3A_147 : vector<128x128xf32> to vector<1x128x128xf32>
    %stack3A_195 = tpu.concatenate %stack3A, %stack3A_148, %stack3A_149, %stack3A_150, %stack3A_151, %stack3A_152, %stack3A_153, %stack3A_154, %stack3A_155, %stack3A_156, %stack3A_157, %stack3A_158, %stack3A_159, %stack3A_160, %stack3A_161, %stack3A_162, %stack3A_163, %stack3A_164, %stack3A_165, %stack3A_166, %stack3A_167, %stack3A_168, %stack3A_169, %stack3A_170, %stack3A_171, %stack3A_172, %stack3A_173, %stack3A_174, %stack3A_175, %stack3A_176, %stack3A_177, %stack3A_178, %stack3A_179, %stack3A_180, %stack3A_181, %stack3A_182, %stack3A_183, %stack3A_184, %stack3A_185, %stack3A_186, %stack3A_187, %stack3A_188, %stack3A_189, %stack3A_190, %stack3A_191, %stack3A_192, %stack3A_193, %stack3A_194 in 0 : vector<1x128x128xf32>, vector<1x128x128xf32>, vector<1x128x128xf32>, vector<1x128x128xf32>, vector<1x128x128xf32>, vector<1x128x128xf32>, vector<1x128x128xf32>, vector<1x128x128xf32>, vector<1x128x128xf32>, vector<1x128x128xf32>, vector<1x128x128xf32>, vector<1x128x128xf32>, vector<1x128x128xf32>, vector<1x128x128xf32>, vector<1x128x128xf32>, vector<1x128x128xf32>, vector<1x128x128xf32>, vector<1x128x128xf32>, vector<1x128x128xf32>, vector<1x128x128xf32>, vector<1x128x128xf32>, vector<1x128x128xf32>, vector<1x128x128xf32>, vector<1x128x128xf32>, vector<1x128x128xf32>, vector<1x128x128xf32>, vector<1x128x128xf32>, vector<1x128x128xf32>, vector<1x128x128xf32>, vector<1x128x128xf32>, vector<1x128x128xf32>, vector<1x128x128xf32>, vector<1x128x128xf32>, vector<1x128x128xf32>, vector<1x128x128xf32>, vector<1x128x128xf32>, vector<1x128x128xf32>, vector<1x128x128xf32>, vector<1x128x128xf32>, vector<1x128x128xf32>, vector<1x128x128xf32>, vector<1x128x128xf32>, vector<1x128x128xf32>, vector<1x128x128xf32>, vector<1x128x128xf32>, vector<1x128x128xf32>, vector<1x128x128xf32>, vector<1x128x128xf32> -> vector<48x128x128xf32>
    %reshape3A_196 = vector.shape_cast %stack3A_195 : vector<48x128x128xf32> to vector<48x16384xf32>
    %get3A_197 = arith.constant 0 : index
    %get3A_198 = arith.constant 0 : index
    %get3A_199 = vector.load %arg4[%get3A_197, %get3A_198] : memref<96x48xf32, #tpu.memory_space<vmem>>, vector<96x48xf32>
    %dot_general3A_200 = arith.constant dense<0.000000e+00> : vector<96x16384xf32>
    %dot_general3A_201 = tpu.matmul %get3A_199, %reshape3A_196, %dot_general3A_200 {dimension_numbers = #tpu.dot_dimension_numbers<[1], [0], [0], [1], [0, 0, 1, 1], [], []>, transpose_lhs_hint = false} : vector<96x48xf32>, vector<48x16384xf32>, vector<96x16384xf32> -> vector<96x16384xf32>
    %get3A_202 = arith.constant 0 : index
    %get3A_203 = arith.constant 0 : index
    %get3A_204 = vector.load %arg5[%get3A_202, %get3A_203] : memref<96x1xf32, #tpu.memory_space<vmem>>, vector<96x1xf32>
    %add3A = vector.broadcast %get3A_204 : vector<96x1xf32> to vector<96x16384xf32>
    %add3A_205 = arith.addf %dot_general3A_201, %add3A : vector<96x16384xf32>
    %swap3A = arith.constant 0 : index
    %swap3A_206 = arith.constant 0 : index
    %swap3A_207 = arith.constant 0 : index
    %swap3A_208 = vector.load %arg6[%swap3A, %swap3A_206, %swap3A_207] : memref<1x96x16384xf32, #tpu.memory_space<vmem>>, vector<1x96x16384xf32>
    %swap3A_209 = vector.shape_cast %swap3A_208 : vector<1x96x16384xf32> to vector<96x16384xf32>
    %swap3A_210 = vector.shape_cast %add3A_205 : vector<96x16384xf32> to vector<1x96x16384xf32>
    tpu.vector_store %arg6[%swap3A, %swap3A_206, %swap3A_207], %swap3A_210 {strides = array<i32>} : memref<1x96x16384xf32, #tpu.memory_space<vmem>>, vector<1x96x16384xf32>,
    return
  }
  func.func @transform_0(%arg0: i32, %arg1: i32) -> (i32, i32, i32, i32) {
    %c0_i32 = arith.constant 0 : i32
    %c0_i32_0 = arith.constant 0 : i32
    %c0_i32_1 = arith.constant 0 : i32
    return %arg0, %c0_i32, %arg1, %c0_i32_0 : i32, i32, i32, i32
  }
  func.func @transform_1(%arg0: i32, %arg1: i32) -> (i32, i32) {
    %c0_i32 = arith.constant 0 : i32
    %c0_i32_0 = arith.constant 0 : i32
    %c0_i32_1 = arith.constant 0 : i32
    return %c0_i32, %c0_i32_0 : i32, i32
  }
  func.func @transform_2(%arg0: i32, %arg1: i32) -> (i32, i32) {
    %c0_i32 = arith.constant 0 : i32
    %c0_i32_0 = arith.constant 0 : i32
    %c0_i32_1 = arith.constant 0 : i32
    return %c0_i32, %c0_i32_0 : i32, i32
  }
  func.func @transform_3(%arg0: i32, %arg1: i32) -> (i32, i32) {
    %c0_i32 = arith.constant 0 : i32
    %c0_i32_0 = arith.constant 0 : i32
    %c0_i32_1 = arith.constant 0 : i32
    return %c0_i32, %c0_i32_0 : i32, i32
  }
  func.func @transform_4(%arg0: i32, %arg1: i32) -> (i32, i32, i32) {
    %c0_i32 = arith.constant 0 : i32
    %c0_i32_0 = arith.constant 0 : i32
    return %arg0, %c0_i32, %arg1 : i32, i32, i32
  }
}

</mosaic_0001>

<sc_bundles>
// kernel: kernel.4.cloned.1.call-start
scs
__scs_entry_jumppad:
0x0: {  	(pc) =	sbr.rel $0x88, $3  }
0x1: {  	(tag) =	ssettag $0x0;
	lr =	simm.s32 $0x1  }
0x2: {  	[smem:$0x3F9E] =	sst lr;
	_ =	strace $0xD0000000  }
0x3: {  	_ = 	snop  }
0x4: {  	_ = 	snop  }
0x5: {  	_ = 	snop  }
0x6: {  	_ = 	snop  }
0x7: {  	_ = 	snop  }
__scs_overlays_trampoline_lowered:
0x8: {  	[smem:$0x3FAD] =	sst s0  }
0x9: {  	[smem:$0x3FAE] =	sst s1  }
0xa: {  	[smem:$0x3FAF] =	sst s2  }
0xb: {  	[smem:$0x3FB0] =	sst s3  }
0xc: {  	[smem:$0x3FB1] =	sst s4  }
0xd: {  	[smem:$0x3FB2] =	sst s5  }
0xe: {  	[smem:$0x3FB3] =	sst s6  }
0xf: {  	[smem:$0x3FB4] =	sst s7  }
0x10: {  	[smem:$0x3FB5] =	sst s8  }
0x11: {  	[smem:$0x3FB6] =	sst s9;
	s0 =	simm.s32 @!p0 $0x0  }
0x12: {  	s1 =	sld [smem:$0x3F9C];
	s0 =	simm.s32 @p0 $0x1  }
0x13: {  	[smem:$0x3FB7] =	sst s0;
	s0 =	simm.s32 @!p1 $0x0  }
0x14: {  	s2 =	sld [smem:$0x3F9B];
	s0 =	simm.s32 @p1 $0x1  }
0x15: {  	[smem:$0x3FB8] =	sst s0;
	s0 =	simm.s32 @!p2 $0x0  }
0x16: {  	s3 =	sld [smem:$0x3FDB];
	s0 =	simm.s32 @p2 $0x1  }
0x17: {  	s4 =	simm.s32 $0x1BF5;
	[smem:$0x3FBA] =	sst s0  }
0x18: {  	s0 =	sld [smem:$0x3F9D];
	_ =	swait.ge [sflag:s4], $0x0  }
0x19: {  	s7 =	sld [smem:$0x3F9E]  }
0x1a: {  	s8 =	sadd.s32 $0xFFFFE003, lr  }
0x1b: {  	s9 =	sadd.s32 $0xFFFFFEF7, lr;
	s5 =	simm.s32 $0xFFFFFFFF;
	p2 =	slt.u32 s8, $0xFFFFF086  }
0x1c: {  	p1 =	slt.u32 s9, $0xF7A;
	s5 =	simm.s32 @!p2 $0x0  }
0x1d: {  	s5 =	simm.s32 @p1 $0x1;
	p0 =	seq.s32 s7, s2  }
0x1e: {  	s7 =	smul.u32 @!p0 $0xF7A, s2;
	p2 =	seq.s32 @!p0 s5, $0x0  }
0x1f: {  	s9 =	smul.u32 $0xF7A, s1;
	s8 =	simm.s32 @!p0 $0x1BF5;
	p2 =	por !p2, p0  }
0x20: {  	[sflag:s8] =	ssyncset.s32 @!p0 $0xFFFFF086;
	s6 =	sadd.s32 @!p0 s3, s7;
	s7 =	simm.s32 @!p0 $0x108  }
0x21: {  	s3 =	sadd.s32 s3, s9;
	s6 =	sadd.s32 @!p0 $0x88, s6;
	s7 =	simm.s32 @p2 $0x1082  }
0x22: {  	[simem:s7], [sflag:s8] =	dma.local @!p0 [hbm:s6], $0xF7A  }
0x23: {  	s9 =	sor.u32 $0xD0000000, s2;
	s6 =	simm.s32 $0x108;
	_ =	swait.ge @!p0 [sflag:s8], $0x0  }
0x24: {  	s3 =	sadd.s32 $0x88, s3;
	s6 =	simm.s32 @!p1 $0x1082;
	[sflag:s4] =	ssyncset.s32 $0xFFFFF086  }
0x25: {  	[simem:s6], [sflag:s4] =	dma.local [hbm:s3], $0xF7A  }
0x26: {  	[smem:$0x3F9E] =	sst s1;
	(tag) =	ssettag s2;
	_ =	strace s9  }
0x27: {  	s1 =	sld [smem:$0x3FAE]  }
0x28: {  	s2 =	sld [smem:$0x3FAF]  }
0x29: {  	s4 =	sld [smem:$0x3FB1]  }
0x2a: {  	p0 =	seq.s32 s5, $0x0;
	s5 =	sld [smem:$0x3FB2]  }
0x2b: {  	s6 =	sld [smem:$0x3FB3]  }
0x2c: {  	s7 =	sld [smem:$0x3FB4]  }
0x2d: {  	s3 =	simm.s32 $0x108;
	s8 =	sld [smem:$0x3FB5]  }
0x2e: {  	s3 =	simm.s32 @!p0 $0x1082;
	s9 =	sld [smem:$0x3FB6]  }
0x2f: {  	lr =	sadd.s32 s0, s3;
	s0 =	sld [smem:$0x3FAD]  }
0x30: {  	s3 =	sld [smem:$0x3FB0]  }
0x31: {  	[smem:$0x3FB9] =	sst s10  }
0x32: {  	s10 =	sld [smem:$0x3FB7];
	_ =	sdelay $0x3  }
0x33: {  	p0 =	seq.s32 s10, $0x1;
	s10 =	sld [smem:$0x3FB9];
	_ =	sdelay $0x3  }
0x34: {  	[smem:$0x3FB9] =	sst s10  }
0x35: {  	s10 =	sld [smem:$0x3FB8];
	_ =	sdelay $0x3  }
0x36: {  	p1 =	seq.s32 s10, $0x1;
	s10 =	sld [smem:$0x3FB9];
	_ =	sdelay $0x3  }
0x37: {  	[smem:$0x3FB9] =	sst s10  }
0x38: {  	s10 =	sld [smem:$0x3FBA]  }
0x39: {  	_ = 	snop;
	(pc) =	sbr.ind lr, $3  }
0x3a: {  	_ = 	snop  }
0x3b: {  	_ = 	snop  }
0x3c: {  	p2 =	seq.s32 s10, $0x1;
	s10 =	sld [smem:$0x3FB9]  }
0x3d: {  	_ =	shalt  }
0x3e: {  	_ =	shalt  }
0x3f: {  	_ =	shalt  }
0x40: {  	_ =	shalt  }
0x41: {  	_ =	shalt  }
0x42: {  	_ =	shalt  }
0x43: {  	_ =	shalt  }
0x44: {  	_ =	shalt  }
0x45: {  	_ =	shalt  }
0x46: {  	_ =	shalt  }
0x47: {  	_ =	shalt  }
0x48: {  	_ =	shalt  }
0x49: {  	_ =	shalt  }
0x4a: {  	_ =	shalt  }
0x4b: {  	_ =	shalt  }
0x4c: {  	_ =	shalt  }
0x4d: {  	_ =	shalt  }
0x4e: {  	_ =	shalt  }
0x4f: {  	_ =	shalt  }
0x50: {  	_ =	shalt  }
0x51: {  	_ =	shalt  }
0x52: {  	_ =	shalt  }
0x53: {  	_ =	shalt  }
0x54: {  	_ =	shalt  }
0x55: {  	_ =	shalt  }
0x56: {  	_ =	shalt  }
0x57: {  	_ =	shalt  }
0x58: {  	_ =	shalt  }
0x59: {  	_ =	shalt  }
0x5a: {  	_ =	shalt  }
0x5b: {  	_ =	shalt  }
0x5c: {  	_ =	shalt  }
0x5d: {  	_ =	shalt  }
0x5e: {  	_ =	shalt  }
0x5f: {  	_ =	shalt  }
0x60: {  	_ =	shalt  }
0x61: {  	_ =	shalt  }
0x62: {  	_ =	shalt  }
0x63: {  	_ =	shalt  }
0x64: {  	_ =	shalt  }
0x65: {  	_ =	shalt  }
0x66: {  	_ =	shalt  }
0x67: {  	_ =	shalt  }
0x68: {  	_ =	shalt  }
0x69: {  	_ =	shalt  }
0x6a: {  	_ =	shalt  }
0x6b: {  	_ =	shalt  }
0x6c: {  	_ =	shalt  }
0x6d: {  	_ =	shalt  }
0x6e: {  	_ =	shalt  }
0x6f: {  	_ =	shalt  }
0x70: {  	_ =	shalt  }
0x71: {  	_ =	shalt  }
0x72: {  	_ =	shalt  }
0x73: {  	_ =	shalt  }
0x74: {  	_ =	shalt  }
0x75: {  	_ =	shalt  }
0x76: {  	_ =	shalt  }
0x77: {  	_ =	shalt  }
0x78: {  	_ =	shalt  }
0x79: {  	_ =	shalt  }
0x7a: {  	_ =	shalt  }
0x7b: {  	_ =	shalt  }
0x7c: {  	_ =	shalt  }
0x7d: {  	_ =	shalt  }
0x7e: {  	_ =	shalt  }
0x7f: {  	_ =	shalt  }
0x80: {  	_ =	shalt  }
0x81: {  	_ =	shalt  }
0x82: {  	_ =	shalt  }
0x83: {  	_ =	shalt  }
0x84: {  	_ =	shalt  }
0x85: {  	_ =	shalt  }
0x86: {  	_ =	shalt  }
0x87: {  	_ =	shalt  }
.Lfunc_end0:
.L_simem_size_0:
called_computation_lowered:
.L_overlay_start_0:
0x88: {  	s2 =	sld [smem:$0x3FD9]  }
0x89: {  	s3 =	sld [smem:$0x3FFE];
	_ =	sdelay $0x1  }
0x8a: {  	s1 =	srdreg.scid  }
0x8b: {  	s0 =	sand.u32 $0x1, s1  }
0x8c: {  	s15 =	sshll.u32 s0, $0xA;
	s2 =	sadd.s32 s3, s2  }
0x8d: {  	s2 =	sadd.s32 s2, s15  }
0x8e: {  	[smem:$0x3FC5] =	sst s2  }
0x8f: {  	_ = 	snop  }
0x90: {  	s2 =	sld [smem:$0x3FD0];
	_ =	sdelay $0x2  }
0x91: {  	s16 =	simm.s32 $0xA;
	s4 =	simm.s32 $0x10  }
0x92: {  	[smem:s4], [sflag:s16] =	dma.local [hbm:s2], $0x1  }
0x93: {  	_ =	swait.eq [sflag:s16], $0x1  }
0x94: {  	[sflag:s16] =	ssyncset.done $0x0  }
0x95: {  	[sflag:s16] =	ssyncadd.s32 $0xFFFFFFFF  }
0x96: {  	s17 =	sld [smem:$0x11];
	(tm) =	ssettm $0x1  }
0x97: {  	s18 =	sld [smem:$0x3FFB];
	_ =	sdelay $0x3  }
0x98: {  	_ =	strace s18  }
0x99: {  	s3 =	sld [smem:$0x3FFC];
	_ =	sdelay $0x3  }
0x9a: {  	_ =	strace s3  }
0x9b: {  	s3 =	sld [smem:$0x3FFD];
	_ =	sdelay $0x3  }
0x9c: {  	_ =	strace s3  }
0x9d: {  	_ =	strace $0x8FFFFFFF  }
0x9e: {  	s19 =	sld [smem:$0x3FDB];
	_ =	sdelay $0x1  }
0x9f: {  	s20 =	simm.s32 $_scs_section_size  }
0xa0: {  	s5 =	simm.s32 $_size__tile_overlayer_lowered;
	s6 =	simm.s32 $_tile_overlayer_lowered  }
0xa1: {  	s23 =	simm.s32 $0x1BFF;
	s22 =	sshll.u32 s6, $0x1;
	s3 =	sadd.s32 s20, s19  }
0xa2: {  	s7 =	simm.s32 $0x0;
	s21 =	sshll.u32 s5, $0x1;
	s5 =	sadd.s32 s22, s3  }
0xa3: {  	[timem:s7], [sflag:s23] =	dma.local [hbm:s5], s21  }
0xa4: {  	_ =	swait.ge [sflag:s23], s21  }
0xa5: {  	s4 =	ssub.s32 $0x0, s21;
	[sflag:s23] =	ssyncset.done $0x0  }
0xa6: {  	[sflag:s23] =	ssyncadd.s32 s4;
	_ =	sdelay $0x1  }
0xa7: {  	s24 =	simm.s32 $0x1B8B  }
0xa8: {  	_ =	swait.ge [sflag:s24], $0x1  }
0xa9: {  	[sflag:s24] =	ssyncset.done $0x0  }
0xaa: {  	s25 =	simm.s32 $0x1B8E;
	[sflag:s24] =	ssyncadd.s32 $0xFFFFFFFF  }
0xab: {  	s26 =	simm.s32 $execute0_lowered;
	[smem:$0x3FD2] =	sst s25  }
0xac: {  	s4 =	sshll.u32 s26, $0x1;
	_ =	strace $0x80000046;
	[dreg:$0x1] =	wrdreg $0xFFFFFFFF  }
0xad: {  	s28 =	simm.s32 $_size_execute0_lowered;
	s3 =	sadd.s32 s3, s4;
	[dreg:$0x0] =	wrdreg $0x0  }
0xae: {  	s4 =	sshll.u32 s28, $0x1;
	[dreg:$0x2] =	wrdreg s3  }
0xaf: {  	[dreg:$0x3] =	wrdreg s4  }
0xb0: {  	[dreg:$0x4] =	wrdreg $0xC0  }
0xb1: {  	_ =	task [dreg:s7], $0x5FFFF  }
0xb2: {  	[dreg:$0x1] =	wrdreg $0xFFFFFFFF  }
0xb3: {  	[dreg:$0x0] =	wrdreg $0x60  }
0xb4: {  	[dreg:$0x2] =	wrdreg s17  }
0xb5: {  	[dreg:$0x3] =	wrdreg $0x9  }
0xb6: {  	_ =	task.clear_ibuf [dreg:s7], $0x4FFFF;
	_ =	strace $0x90000046  }
0xb7: {  	s29 =	simm.s32 $0x9;
	_ =	strace $0x80000048  }
0xb8: {  	_ =	swait.ge [sflag:s29], $0x1  }
0xb9: {  	[sflag:s29] =	ssyncadd.s32 $0xFFFFFFFF  }
0xba: {  	_ =	strace $0x90000048  }
0xbb: {  	_ =	sfence  }
0xbc: {  	s30 =	sld [smem:$0x0];
	_ =	sdelay $0x2  }
0xbd: {  	s31 =	sshll.u32 s1, $0xD;
	s1 =	sshrl.u32 s1, $0x2  }
0xbe: {  	s3 =	sand.u32 $0x4000, s31;
	s1 =	sadd.s32 s1, s30  }
0xbf: {  	s0 =	sor.u32 s3, s0;
	s1 =	sshll.u32 s1, $0x11  }
0xc0: {  	s0 =	sor.u32 s1, s0  }
0xc1: {  	s0 =	sadd.s32 $0x8F2B, s0  }
0xc2: {  	[sflag:s0] =	ssyncadd.remote.s32 $0x1  }
0xc3: {  	_ =	sfence.sel $0xFFFF  }
0xc4: {  	[dreg:$0x0] =	wrdreg $0xFFFFFFFF;
	(pc) =	sbr.abs _section_cstart, $3  }
0xc5: {  	[dreg:$0x1] =	wrdreg $0xFFFFFFFF  }
0xc6: {  	_ =	task.clear_ibuf [dreg:s7], $0x2FFFF;
	_ =	strace $0x9FFFFFFF  }
0xc7: {  	(tm) =	ssettm $0x7FFFFFFF  }
tec
execute0_lowered:
.L_overlay_start_1:
0x0: {  	(tag) =	ssettag $0x1  }
0x1: {  	s3 =	rddreg [dreg:$0x0]  }
0x2: {  	s0 =	rddreg [dreg:$0x1];
	s1 =	simm.s32 $0x0;
	s2 =	srdreg.scid  }
0x3: {  	[smem:$0x7FF] =	sst s1;
	s4 =	sand.u32 $0x1, s2  }
0x4: {  	s2 =	stileid.u32;
	_ =	strace $0x80000047;
	s5 =	ssub.s32 $0x2, s4  }
0x5: {  	s7 =	sshll.u32 s2, $0x5;
	s4 =	sshll.u32 s4, $0x4;
	s8 =	sshll.u32 s2, $0xC  }
0x6: {  	s6 =	sshrl.u32 s5, $0x1;
	s7 =	sand.u32 $0x60, s7;
	s3 =	sadd.s32 s3, s4  }
0x7: {  	s31 =	sand.u32 $0xC000, s8;
	s8 =	simm.s32 $0x0;
	s30 =	ssub.s32 s5, s6  }
0x8: {  	s3 =	sadd.s32 s7, s3;
	s5 =	simm.s32 $0x80;
	s6 =	simm.s32 $0x400  }
0x9: {  	v0 =	vlaneseq.u32;
	s7 =	simm.s32 $0x1;
	s3 =	sadd.s32 s31, s3;
	s4 =	smax.u32 s30, $0x1  }
.LBB2_1:
0xa: {  	v1 =	vor.u32 s1, v0  }
0xb: {  	s9 =	simm.s32 $0x10;
	s10 =	simm.s32 $0x0;
	[tilespmem:s1+$0x0] =	vst v1  }
.LBB2_2:
0xc: {  	p0 =	sne.s32 s9, $0x3FF0  }
.Ltmp0:
0xd: {  	_ = 	snop;
	(pc) =	sbr.rel @p0 .LBB2_2-.Ltmp0, $3  }
0xe: {  	_ =	sdelay $0x1  }
0xf: {  	v1 =	vor.u32 s9, v0;
	s9 =	sadd.s32 $0x10, s9;
	s10 =	sadd.s32 $0x10, s10  }
0x10: {  	[tilespmem:s10+$0x0] =	vst v1  }
0x11: {  	s8 =	sadd.s32 $0x1, s8  }
0x12: {  	p0 =	sne.s32 s8, s4  }
.Ltmp1:
0x13: {  	_ = 	snop;
	(pc) =	sbr.rel @p0 .LBB2_1-.Ltmp1, $4  }
0x14: {  	[hbm4b:s3+s5] =	stream.strided.scatter [tilespmem:s1], [sflag:$0x1], $0x4000, s6, s5, $0x38;
	[tilespmem:$0x4000] =	vst v63  }
0x15: {  	_ =	swait.ge [sflag:s7], $0x4000  }
0x16: {  	[sflag:s7] =	ssyncset.done $0x0  }
0x17: {  	[sflag:s7] =	ssyncadd.s32 $0xFFFFC000  }
0x18: {  	_ =	sfence.sel $0x180000  }
0x19: {  	[bflag:$0x0] =	sbarrier.arrive $0xFFFF  }
0x1a: {  	p0 =	sne.s32 s2, $0x0;
	_ =	strace $0x90000047  }
0x1b: {  	s0 =	sadd.s32 @!p0 $0x100000, s0;
	[bflag:$0x2] =	sbarrier.arrive $0xFFFF  }
0x1c: {  	[sflag:s0] =	ssyncadd.tile.s32 @!p0 $0x1;
	_ =	shalt  }
.Lfunc_end2:
_tile_overlayer_lowered:
.L_overlay_start_2:
0x1d: {  	(tag) =	ssettag $0x2  }
0x1e: {  	s0 =	rddreg [dreg:$0x0];
	s2 =	stileid.u32  }
0x1f: {  	s1 =	rddreg [dreg:$0x1];
	p0 =	sne.s32 s2, $0x0  }
0x20: {  	s3 =	rddreg [dreg:$0x2];
	[bflag:$0x3] =	sbarrier.arrive $0xFFFF;
	s2 =	simm.s32 @!p0 $0x1C01  }
0x21: {  	[timem:s3], [sflag:s2] =	dma.local @!p0 [hbm:s0], s1  }
0x22: {  	s0 =	simm.s32 @!p0 $0x1  }
0x23: {  	_ =	swait.ge @!p0 [sflag:s0], s1  }
0x24: {  	s1 =	ssub.s32 @!p0 $0x0, s1;
	[sflag:s0] =	ssyncset.done @!p0 $0x0  }
0x25: {  	[sflag:s0] =	ssyncadd.s32 @!p0 s1  }
0x26: {  	[bflag:$0x3] =	sbarrier.arrive $0xFFFF  }
0x27: {  	_ =	shalt  }

</sc_bundles>
